<compile_context>
chip_gen: v7x
topology: tpu7x:2x2x1
jax: 0.10.2.dev20260603
libtpu: 0.0.44.dev20260713+nightly
codegen_flags: <defaults>
</compile_context>

<pallas_src>
import functools

import jax
import jax.numpy as jnp
from jax import lax
from jax.experimental import pallas as pl
from jax.experimental.pallas import tpu as pltpu
from jax.experimental.pallas import tpu_sc as plsc

NB = 128
NP = 8192
G = 64
NC, NS, L = 2, 16, 16
NW = NC * NS
BPW = NB // NW
PLANE = NB * NP
NCELL = G * G * G * NB


def _sc_body(coords_hbm, marks_ref, xs_v, ys_v, zs_v, idx0_v, idx1_v,
             idx2_v, idx3_v, ones_v, ssem):
    idx_bufs = [idx0_v, idx1_v, idx2_v, idx3_v]
    wid = lax.axis_index("s") * NC + lax.axis_index("c")

    def fill_ones(i, _):
        ones_v[pl.ds(i * L, L)] = jnp.full((L,), 1.0, jnp.float32)
        return 0
    lax.fori_loop(0, NP // L, fill_ones, 0)

    scopies = []
    for bl in range(BPW):
        b = wid * BPW + bl
        idx_v = idx_bufs[bl]
        pltpu.sync_copy(coords_hbm.at[pl.ds(b * NP, NP)], xs_v)
        pltpu.sync_copy(coords_hbm.at[pl.ds(PLANE + b * NP, NP)], ys_v)
        pltpu.sync_copy(coords_hbm.at[pl.ds(2 * PLANE + b * NP, NP)], zs_v)

        def idx_chunk(i, _):
            s = pl.ds(i * L, L)
            ix = (xs_v[s] * 64.0).astype(jnp.int32)
            iy = (ys_v[s] * 64.0).astype(jnp.int32)
            iz = (zs_v[s] * 64.0).astype(jnp.int32)
            idx_v[s] = ((ix * G + iz) * G + iy) * 128 + b
            return 0
        lax.fori_loop(0, NP // L, idx_chunk, 0)
        scopies.append(
            pltpu.async_copy(ones_v, marks_ref.at[idx_v], ssem))

    for c in scopies:
        c.wait()


_mesh = plsc.VectorSubcoreMesh(core_axis_name="c", subcore_axis_name="s")

_scatter = functools.partial(
    pl.kernel,
    out_type=(),
    mesh=_mesh,
    scratch_types=[
        pltpu.VMEM((NP,), jnp.float32),
        pltpu.VMEM((NP,), jnp.float32),
        pltpu.VMEM((NP,), jnp.float32),
        pltpu.VMEM((NP,), jnp.int32),
        pltpu.VMEM((NP,), jnp.int32),
        pltpu.VMEM((NP,), jnp.int32),
        pltpu.VMEM((NP,), jnp.int32),
        pltpu.VMEM((NP,), jnp.float32),
        pltpu.SemaphoreType.DMA,
    ],
    compiler_params=pltpu.CompilerParams(needs_layout_passes=False),
)(_sc_body)


def kernel(coord_v):
    flat = coord_v.transpose(2, 0, 1).reshape(3 * PLANE)
    marks_ref = jax.new_ref(jnp.zeros((NCELL,), jnp.float32))
    _scatter(flat, marks_ref)
    marks = marks_ref[...]
    return marks.reshape(G, G, G, NB).transpose(3, 0, 1, 2)

# --- scband reference (transcript-rebuilt; emitter-appended) ---
"""Pipeline reference for scband-parameter-transform-unet-37495064494680 (READ-ONLY COPY).

The authoritative reference and input builder live on the scoring server;
editing this copy changes nothing except your own understanding.
"""

import jax, jax.numpy as jnp
import numpy as np

GRID_DIM = (64, 64, 64)
GRID_LOW = 0.0
GRID_HIGH = 1.0


def setup_inputs(seed: int = 0) -> dict:
    key = jax.random.key(seed)
    coord_v = jax.random.uniform(key, (128, 8192, 3), dtype=jnp.float32)
    return {"coord_v": coord_v}


def reference(coord_v):
    grid_dim_f = jnp.asarray(GRID_DIM, dtype=jnp.float32)
    # v_to_grid: map real coords to [0, 1]
    coord_grid = (coord_v - GRID_LOW) / (GRID_HIGH - GRID_LOW)
    coord_grid = jnp.nan_to_num(coord_grid)
    n_batch, n_sub_var, _ = coord_grid.shape
    z = jnp.zeros((n_batch,) + GRID_DIM, dtype=jnp.float32)
    if n_batch == 0 or n_sub_var == 0:
        return z
    # [3, N] float grid indices
    coord_grid_idxs = jnp.floor(coord_grid.reshape(-1, 3) * grid_dim_f).T
    # swap rows 1 and 2 (y <-> z), as in torch code
    coord_grid_idxs = coord_grid_idxs[jnp.array([0, 2, 1])]
    b_idx = jnp.repeat(jnp.arange(n_batch), n_sub_var)
    indices = jnp.concatenate([b_idx[None].astype(jnp.float32), coord_grid_idxs], axis=0)
    valid = indices[1] >= 0
    indices_i = indices.astype(jnp.int32)
    # emulate the boolean-mask filter: route invalid entries to -1 which is
    # dropped under mode='drop' (negative indices are OOB in drop mode)
    b = jnp.where(valid, indices_i[0], -1)
    z = z.at[b, indices_i[1], indices_i[2], indices_i[3]].set(1.0, mode='drop')
    return z

if __name__ == "__main__":
    import jax
    _d = setup_inputs()
    print(jax.jit(kernel)(*tuple(_d.values())))

</pallas_src>

<mosaic_0001>
#map = affine_map<(d0, d1) -> (0)>
module attributes {stable_mosaic.version = 14 : i64} {
  func.func @new_body(%arg0: i32, %arg1: i32, %arg2: memref<3145728xf32, #tpu.memory_space<hbm>>, %arg3: memref<33554432xf32, #tpu.memory_space<hbm>>, %arg4: memref<33554432xf32, #tpu.memory_space<hbm>>, %arg5: memref<8192xf32, #tpu.memory_space<vmem>>, %arg6: memref<8192xf32, #tpu.memory_space<vmem>>, %arg7: memref<8192xf32, #tpu.memory_space<vmem>>, %arg8: memref<8192xi32, #tpu.memory_space<vmem>>, %arg9: memref<8192xi32, #tpu.memory_space<vmem>>, %arg10: memref<8192xi32, #tpu.memory_space<vmem>>, %arg11: memref<8192xi32, #tpu.memory_space<vmem>>, %arg12: memref<8192xf32, #tpu.memory_space<vmem>>, %arg13: memref<!tpu.dma_semaphore, #tpu.memory_space<semaphore_mem>>) attributes {dimension_semantics = [#tpu.dimension_semantics<core_parallel>, #tpu.dimension_semantics<subcore_parallel>], iteration_bounds = array<i64: 2, 16>, scalar_prefetch = 0 : i64, scratch_operands = 9 : i64, tpu.core_type = #tpu.core_type<sc_vector_subcore>, window_params = [{transform_indices = #map}, {transform_indices = #map}, {transform_indices = #map}]} {
    %mul3A = arith.constant 2 : i32
    %mul3A_0 = arith.muli %arg1, %mul3A : i32
    %add3A = arith.addi %mul3A_0, %arg0 : i32
    %scan3A = arith.constant 0 : i32
    %scan3A_1 = arith.constant 0 : i32
    %scan3A_2 = arith.constant 512 : i32
    %scan3A_3 = arith.addi %scan3A_1, %scan3A_2 : i32
    %scan3A_4 = arith.constant 1 : i32
    %scan3A_5 = scf.for %scan3A_105 = %scan3A_1 to %scan3A_3 step %scan3A_4 iter_args(%scan3A_106 = %scan3A) -> (i32)  : i32 {
      %broadcast_in_dim3A = arith.constant 1.000000e+00 : f32
      %broadcast_in_dim3A_107 = vector.broadcast %broadcast_in_dim3A : f32 to vector<16xf32>
      %mul3A_108 = arith.constant 16 : i32
      %mul3A_109 = arith.muli %scan3A_105, %mul3A_108 : i32
      %swap3A = arith.index_cast %mul3A_109 : i32 to index
      %swap3A_110 = tpu.vector_load %arg12[%swap3A] {strides = array<i32>} : memref<8192xf32, #tpu.memory_space<vmem>>, vector<16xf32>,
      tpu.vector_store %arg12[%swap3A], %broadcast_in_dim3A_107 {strides = array<i32>} : memref<8192xf32, #tpu.memory_space<vmem>>, vector<16xf32>,
      %scan3A_111 = arith.constant 0 : i32
      scf.yield %scan3A_111 : i32
    }
    %scan3A_6 = arith.constant 512 : i32
    %mul3A_7 = arith.constant 4 : i32
    %mul3A_8 = arith.muli %add3A, %mul3A_7 : i32
    %add3A_9 = arith.constant 0 : i32
    %add3A_10 = arith.addi %mul3A_8, %add3A_9 : i32
    %mul3A_11 = arith.constant 8192 : i32
    %mul3A_12 = arith.muli %add3A_10, %mul3A_11 : i32
    "tpu.region"() ({
      %run_scoped3A = tpu.sem_alloc : memref<!tpu.dma_semaphore, #tpu.memory_space<semaphore_mem>>
      %dma_start3A_105 = tpu.memref_slice %arg2[%mul3A_12] : memref<3145728xf32, #tpu.memory_space<hbm>> -> memref<8192xf32, #tpu.memory_space<hbm>>
      %dma_start3A_106 = tpu.memref_slice %arg2[%mul3A_12] : memref<3145728xf32, #tpu.memory_space<hbm>> -> memref<8192xf32, #tpu.memory_space<hbm>>
      tpu.enqueue_dma source(%dma_start3A_106 : memref<8192xf32, #tpu.memory_space<hbm>>) target(%arg5 : memref<8192xf32, #tpu.memory_space<vmem>>) target_semaphore(%run_scoped3A : memref<!tpu.dma_semaphore, #tpu.memory_space<semaphore_mem>>)
      %dma_wait3A_107 = tpu.memref_slice %arg2[%mul3A_12] : memref<3145728xf32, #tpu.memory_space<hbm>> -> memref<8192xf32, #tpu.memory_space<hbm>>
      %dma_wait3A_108 = tpu.memref_slice %arg2[%mul3A_12] : memref<3145728xf32, #tpu.memory_space<hbm>> -> memref<8192xf32, #tpu.memory_space<hbm>>
      tpu.wait_dma2 semaphore(%run_scoped3A : memref<!tpu.dma_semaphore, #tpu.memory_space<semaphore_mem>>) src(%dma_wait3A_108 : memref<8192xf32, #tpu.memory_space<hbm>>) dst(%arg5 : memref<8192xf32, #tpu.memory_space<vmem>>)
      tpu.yield
    }) : () -> ()
    %mul3A_13 = arith.constant 8192 : i32
    %mul3A_14 = arith.muli %add3A_10, %mul3A_13 : i32
    %add3A_15 = arith.constant 1048576 : i32
    %add3A_16 = arith.addi %add3A_15, %mul3A_14 : i32
    "tpu.region"() ({
      %run_scoped3A = tpu.sem_alloc : memref<!tpu.dma_semaphore, #tpu.memory_space<semaphore_mem>>
      %dma_start3A_105 = tpu.memref_slice %arg2[%add3A_16] : memref<3145728xf32, #tpu.memory_space<hbm>> -> memref<8192xf32, #tpu.memory_space<hbm>>
      %dma_start3A_106 = tpu.memref_slice %arg2[%add3A_16] : memref<3145728xf32, #tpu.memory_space<hbm>> -> memref<8192xf32, #tpu.memory_space<hbm>>
      tpu.enqueue_dma source(%dma_start3A_106 : memref<8192xf32, #tpu.memory_space<hbm>>) target(%arg6 : memref<8192xf32, #tpu.memory_space<vmem>>) target_semaphore(%run_scoped3A : memref<!tpu.dma_semaphore, #tpu.memory_space<semaphore_mem>>)
      %dma_wait3A_107 = tpu.memref_slice %arg2[%add3A_16] : memref<3145728xf32, #tpu.memory_space<hbm>> -> memref<8192xf32, #tpu.memory_space<hbm>>
      %dma_wait3A_108 = tpu.memref_slice %arg2[%add3A_16] : memref<3145728xf32, #tpu.memory_space<hbm>> -> memref<8192xf32, #tpu.memory_space<hbm>>
      tpu.wait_dma2 semaphore(%run_scoped3A : memref<!tpu.dma_semaphore, #tpu.memory_space<semaphore_mem>>) src(%dma_wait3A_108 : memref<8192xf32, #tpu.memory_space<hbm>>) dst(%arg6 : memref<8192xf32, #tpu.memory_space<vmem>>)
      tpu.yield
    }) : () -> ()
    %mul3A_17 = arith.constant 8192 : i32
    %mul3A_18 = arith.muli %add3A_10, %mul3A_17 : i32
    %add3A_19 = arith.constant 2097152 : i32
    %add3A_20 = arith.addi %add3A_19, %mul3A_18 : i32
    "tpu.region"() ({
      %run_scoped3A = tpu.sem_alloc : memref<!tpu.dma_semaphore, #tpu.memory_space<semaphore_mem>>
      %dma_start3A_105 = tpu.memref_slice %arg2[%add3A_20] : memref<3145728xf32, #tpu.memory_space<hbm>> -> memref<8192xf32, #tpu.memory_space<hbm>>
      %dma_start3A_106 = tpu.memref_slice %arg2[%add3A_20] : memref<3145728xf32, #tpu.memory_space<hbm>> -> memref<8192xf32, #tpu.memory_space<hbm>>
      tpu.enqueue_dma source(%dma_start3A_106 : memref<8192xf32, #tpu.memory_space<hbm>>) target(%arg7 : memref<8192xf32, #tpu.memory_space<vmem>>) target_semaphore(%run_scoped3A : memref<!tpu.dma_semaphore, #tpu.memory_space<semaphore_mem>>)
      %dma_wait3A_107 = tpu.memref_slice %arg2[%add3A_20] : memref<3145728xf32, #tpu.memory_space<hbm>> -> memref<8192xf32, #tpu.memory_space<hbm>>
      %dma_wait3A_108 = tpu.memref_slice %arg2[%add3A_20] : memref<3145728xf32, #tpu.memory_space<hbm>> -> memref<8192xf32, #tpu.memory_space<hbm>>
      tpu.wait_dma2 semaphore(%run_scoped3A : memref<!tpu.dma_semaphore, #tpu.memory_space<semaphore_mem>>) src(%dma_wait3A_108 : memref<8192xf32, #tpu.memory_space<hbm>>) dst(%arg7 : memref<8192xf32, #tpu.memory_space<vmem>>)
      tpu.yield
    }) : () -> ()
    %scan3A_21 = arith.constant 0 : i32
    %scan3A_22 = arith.constant 0 : i32
    %scan3A_23 = arith.constant 512 : i32
    %scan3A_24 = arith.addi %scan3A_22, %scan3A_23 : i32
    %scan3A_25 = arith.constant 1 : i32
    %scan3A_26 = scf.for %scan3A_105 = %scan3A_22 to %scan3A_24 step %scan3A_25 iter_args(%scan3A_106 = %scan3A_21) -> (i32)  : i32 {
      %mul3A_107 = arith.constant 16 : i32
      %mul3A_108 = arith.muli %scan3A_105, %mul3A_107 : i32
      %get3A = arith.index_cast %mul3A_108 : i32 to index
      %get3A_109 = tpu.vector_load %arg5[%get3A] {strides = array<i32>} : memref<8192xf32, #tpu.memory_space<vmem>>, vector<16xf32>,
      %mul3A_110 = arith.constant 6.400000e+01 : f32
      %mul3A_111 = vector.broadcast %mul3A_110 : f32 to vector<16xf32>
      %mul3A_112 = arith.mulf %get3A_109, %mul3A_111 : vector<16xf32>
      %convert_element_type3A = arith.fptosi %mul3A_112 : vector<16xf32> to vector<16xi32>
      %get3A_113 = arith.index_cast %mul3A_108 : i32 to index
      %get3A_114 = tpu.vector_load %arg6[%get3A_113] {strides = array<i32>} : memref<8192xf32, #tpu.memory_space<vmem>>, vector<16xf32>,
      %mul3A_115 = arith.constant 6.400000e+01 : f32
      %mul3A_116 = vector.broadcast %mul3A_115 : f32 to vector<16xf32>
      %mul3A_117 = arith.mulf %get3A_114, %mul3A_116 : vector<16xf32>
      %convert_element_type3A_118 = arith.fptosi %mul3A_117 : vector<16xf32> to vector<16xi32>
      %get3A_119 = arith.index_cast %mul3A_108 : i32 to index
      %get3A_120 = tpu.vector_load %arg7[%get3A_119] {strides = array<i32>} : memref<8192xf32, #tpu.memory_space<vmem>>, vector<16xf32>,
      %mul3A_121 = arith.constant 6.400000e+01 : f32
      %mul3A_122 = vector.broadcast %mul3A_121 : f32 to vector<16xf32>
      %mul3A_123 = arith.mulf %get3A_120, %mul3A_122 : vector<16xf32>
      %convert_element_type3A_124 = arith.fptosi %mul3A_123 : vector<16xf32> to vector<16xi32>
      %mul3A_125 = arith.constant 64 : i32
      %mul3A_126 = vector.broadcast %mul3A_125 : i32 to vector<16xi32>
      %mul3A_127 = arith.muli %convert_element_type3A, %mul3A_126 : vector<16xi32>
      %add3A_128 = arith.addi %mul3A_127, %convert_element_type3A_124 : vector<16xi32>
      %mul3A_129 = arith.constant 64 : i32
      %mul3A_130 = vector.broadcast %mul3A_129 : i32 to vector<16xi32>
      %mul3A_131 = arith.muli %add3A_128, %mul3A_130 : vector<16xi32>
      %add3A_132 = arith.addi %mul3A_131, %convert_element_type3A_118 : vector<16xi32>
      %mul3A_133 = arith.constant 128 : i32
      %mul3A_134 = vector.broadcast %mul3A_133 : i32 to vector<16xi32>
      %mul3A_135 = arith.muli %add3A_132, %mul3A_134 : vector<16xi32>
      %add3A_136 = vector.broadcast %add3A_10 : i32 to vector<16xi32>
      %add3A_137 = arith.addi %mul3A_135, %add3A_136 : vector<16xi32>
      %swap3A = arith.index_cast %mul3A_108 : i32 to index
      %swap3A_138 = tpu.vector_load %arg8[%swap3A] {strides = array<i32>} : memref<8192xi32, #tpu.memory_space<vmem>>, vector<16xi32>,
      tpu.vector_store %arg8[%swap3A], %add3A_137 {strides = array<i32>} : memref<8192xi32, #tpu.memory_space<vmem>>, vector<16xi32>,
      %scan3A_139 = arith.constant 0 : i32
      scf.yield %scan3A_139 : i32
    }
    %scan3A_27 = arith.constant 512 : i32
    %dma_start3A = arith.constant 0 : i32
    %dma_start3A_28 = tpu.memref_slice %arg3[%dma_start3A] : memref<33554432xf32, #tpu.memory_space<hbm>> -> memref<33554432xf32, #tpu.memory_space<hbm>>
    tpu.enqueue_indirect_dma source(%arg12 : memref<8192xf32, #tpu.memory_space<vmem>>) target(%dma_start3A_28 : memref<33554432xf32, #tpu.memory_space<hbm>>) offsets(%arg8 : memref<8192xi32, #tpu.memory_space<vmem>>) semaphore(%arg13 : memref<!tpu.dma_semaphore, #tpu.memory_space<semaphore_mem>>)
    %mul3A_29 = arith.constant 4 : i32
    %mul3A_30 = arith.muli %add3A, %mul3A_29 : i32
    %add3A_31 = arith.constant 1 : i32
    %add3A_32 = arith.addi %mul3A_30, %add3A_31 : i32
    %mul3A_33 = arith.constant 8192 : i32
    %mul3A_34 = arith.muli %add3A_32, %mul3A_33 : i32
    "tpu.region"() ({
      %run_scoped3A = tpu.sem_alloc : memref<!tpu.dma_semaphore, #tpu.memory_space<semaphore_mem>>
      %dma_start3A_105 = tpu.memref_slice %arg2[%mul3A_34] : memref<3145728xf32, #tpu.memory_space<hbm>> -> memref<8192xf32, #tpu.memory_space<hbm>>
      %dma_start3A_106 = tpu.memref_slice %arg2[%mul3A_34] : memref<3145728xf32, #tpu.memory_space<hbm>> -> memref<8192xf32, #tpu.memory_space<hbm>>
      tpu.enqueue_dma source(%dma_start3A_106 : memref<8192xf32, #tpu.memory_space<hbm>>) target(%arg5 : memref<8192xf32, #tpu.memory_space<vmem>>) target_semaphore(%run_scoped3A : memref<!tpu.dma_semaphore, #tpu.memory_space<semaphore_mem>>)
      %dma_wait3A_107 = tpu.memref_slice %arg2[%mul3A_34] : memref<3145728xf32, #tpu.memory_space<hbm>> -> memref<8192xf32, #tpu.memory_space<hbm>>
      %dma_wait3A_108 = tpu.memref_slice %arg2[%mul3A_34] : memref<3145728xf32, #tpu.memory_space<hbm>> -> memref<8192xf32, #tpu.memory_space<hbm>>
      tpu.wait_dma2 semaphore(%run_scoped3A : memref<!tpu.dma_semaphore, #tpu.memory_space<semaphore_mem>>) src(%dma_wait3A_108 : memref<8192xf32, #tpu.memory_space<hbm>>) dst(%arg5 : memref<8192xf32, #tpu.memory_space<vmem>>)
      tpu.yield
    }) : () -> ()
    %mul3A_35 = arith.constant 8192 : i32
    %mul3A_36 = arith.muli %add3A_32, %mul3A_35 : i32
    %add3A_37 = arith.constant 1048576 : i32
    %add3A_38 = arith.addi %add3A_37, %mul3A_36 : i32
    "tpu.region"() ({
      %run_scoped3A = tpu.sem_alloc : memref<!tpu.dma_semaphore, #tpu.memory_space<semaphore_mem>>
      %dma_start3A_105 = tpu.memref_slice %arg2[%add3A_38] : memref<3145728xf32, #tpu.memory_space<hbm>> -> memref<8192xf32, #tpu.memory_space<hbm>>
      %dma_start3A_106 = tpu.memref_slice %arg2[%add3A_38] : memref<3145728xf32, #tpu.memory_space<hbm>> -> memref<8192xf32, #tpu.memory_space<hbm>>
      tpu.enqueue_dma source(%dma_start3A_106 : memref<8192xf32, #tpu.memory_space<hbm>>) target(%arg6 : memref<8192xf32, #tpu.memory_space<vmem>>) target_semaphore(%run_scoped3A : memref<!tpu.dma_semaphore, #tpu.memory_space<semaphore_mem>>)
      %dma_wait3A_107 = tpu.memref_slice %arg2[%add3A_38] : memref<3145728xf32, #tpu.memory_space<hbm>> -> memref<8192xf32, #tpu.memory_space<hbm>>
      %dma_wait3A_108 = tpu.memref_slice %arg2[%add3A_38] : memref<3145728xf32, #tpu.memory_space<hbm>> -> memref<8192xf32, #tpu.memory_space<hbm>>
      tpu.wait_dma2 semaphore(%run_scoped3A : memref<!tpu.dma_semaphore, #tpu.memory_space<semaphore_mem>>) src(%dma_wait3A_108 : memref<8192xf32, #tpu.memory_space<hbm>>) dst(%arg6 : memref<8192xf32, #tpu.memory_space<vmem>>)
      tpu.yield
    }) : () -> ()
    %mul3A_39 = arith.constant 8192 : i32
    %mul3A_40 = arith.muli %add3A_32, %mul3A_39 : i32
    %add3A_41 = arith.constant 2097152 : i32
    %add3A_42 = arith.addi %add3A_41, %mul3A_40 : i32
    "tpu.region"() ({
      %run_scoped3A = tpu.sem_alloc : memref<!tpu.dma_semaphore, #tpu.memory_space<semaphore_mem>>
      %dma_start3A_105 = tpu.memref_slice %arg2[%add3A_42] : memref<3145728xf32, #tpu.memory_space<hbm>> -> memref<8192xf32, #tpu.memory_space<hbm>>
      %dma_start3A_106 = tpu.memref_slice %arg2[%add3A_42] : memref<3145728xf32, #tpu.memory_space<hbm>> -> memref<8192xf32, #tpu.memory_space<hbm>>
      tpu.enqueue_dma source(%dma_start3A_106 : memref<8192xf32, #tpu.memory_space<hbm>>) target(%arg7 : memref<8192xf32, #tpu.memory_space<vmem>>) target_semaphore(%run_scoped3A : memref<!tpu.dma_semaphore, #tpu.memory_space<semaphore_mem>>)
      %dma_wait3A_107 = tpu.memref_slice %arg2[%add3A_42] : memref<3145728xf32, #tpu.memory_space<hbm>> -> memref<8192xf32, #tpu.memory_space<hbm>>
      %dma_wait3A_108 = tpu.memref_slice %arg2[%add3A_42] : memref<3145728xf32, #tpu.memory_space<hbm>> -> memref<8192xf32, #tpu.memory_space<hbm>>
      tpu.wait_dma2 semaphore(%run_scoped3A : memref<!tpu.dma_semaphore, #tpu.memory_space<semaphore_mem>>) src(%dma_wait3A_108 : memref<8192xf32, #tpu.memory_space<hbm>>) dst(%arg7 : memref<8192xf32, #tpu.memory_space<vmem>>)
      tpu.yield
    }) : () -> ()
    %scan3A_43 = arith.constant 0 : i32
    %scan3A_44 = arith.constant 0 : i32
    %scan3A_45 = arith.constant 512 : i32
    %scan3A_46 = arith.addi %scan3A_44, %scan3A_45 : i32
    %scan3A_47 = arith.constant 1 : i32
    %scan3A_48 = scf.for %scan3A_105 = %scan3A_44 to %scan3A_46 step %scan3A_47 iter_args(%scan3A_106 = %scan3A_43) -> (i32)  : i32 {
      %mul3A_107 = arith.constant 16 : i32
      %mul3A_108 = arith.muli %scan3A_105, %mul3A_107 : i32
      %get3A = arith.index_cast %mul3A_108 : i32 to index
      %get3A_109 = tpu.vector_load %arg5[%get3A] {strides = array<i32>} : memref<8192xf32, #tpu.memory_space<vmem>>, vector<16xf32>,
      %mul3A_110 = arith.constant 6.400000e+01 : f32
      %mul3A_111 = vector.broadcast %mul3A_110 : f32 to vector<16xf32>
      %mul3A_112 = arith.mulf %get3A_109, %mul3A_111 : vector<16xf32>
      %convert_element_type3A = arith.fptosi %mul3A_112 : vector<16xf32> to vector<16xi32>
      %get3A_113 = arith.index_cast %mul3A_108 : i32 to index
      %get3A_114 = tpu.vector_load %arg6[%get3A_113] {strides = array<i32>} : memref<8192xf32, #tpu.memory_space<vmem>>, vector<16xf32>,
      %mul3A_115 = arith.constant 6.400000e+01 : f32
      %mul3A_116 = vector.broadcast %mul3A_115 : f32 to vector<16xf32>
      %mul3A_117 = arith.mulf %get3A_114, %mul3A_116 : vector<16xf32>
      %convert_element_type3A_118 = arith.fptosi %mul3A_117 : vector<16xf32> to vector<16xi32>
      %get3A_119 = arith.index_cast %mul3A_108 : i32 to index
      %get3A_120 = tpu.vector_load %arg7[%get3A_119] {strides = array<i32>} : memref<8192xf32, #tpu.memory_space<vmem>>, vector<16xf32>,
      %mul3A_121 = arith.constant 6.400000e+01 : f32
      %mul3A_122 = vector.broadcast %mul3A_121 : f32 to vector<16xf32>
      %mul3A_123 = arith.mulf %get3A_120, %mul3A_122 : vector<16xf32>
      %convert_element_type3A_124 = arith.fptosi %mul3A_123 : vector<16xf32> to vector<16xi32>
      %mul3A_125 = arith.constant 64 : i32
      %mul3A_126 = vector.broadcast %mul3A_125 : i32 to vector<16xi32>
      %mul3A_127 = arith.muli %convert_element_type3A, %mul3A_126 : vector<16xi32>
      %add3A_128 = arith.addi %mul3A_127, %convert_element_type3A_124 : vector<16xi32>
      %mul3A_129 = arith.constant 64 : i32
      %mul3A_130 = vector.broadcast %mul3A_129 : i32 to vector<16xi32>
      %mul3A_131 = arith.muli %add3A_128, %mul3A_130 : vector<16xi32>
      %add3A_132 = arith.addi %mul3A_131, %convert_element_type3A_118 : vector<16xi32>
      %mul3A_133 = arith.constant 128 : i32
      %mul3A_134 = vector.broadcast %mul3A_133 : i32 to vector<16xi32>
      %mul3A_135 = arith.muli %add3A_132, %mul3A_134 : vector<16xi32>
      %add3A_136 = vector.broadcast %add3A_32 : i32 to vector<16xi32>
      %add3A_137 = arith.addi %mul3A_135, %add3A_136 : vector<16xi32>
      %swap3A = arith.index_cast %mul3A_108 : i32 to index
      %swap3A_138 = tpu.vector_load %arg9[%swap3A] {strides = array<i32>} : memref<8192xi32, #tpu.memory_space<vmem>>, vector<16xi32>,
      tpu.vector_store %arg9[%swap3A], %add3A_137 {strides = array<i32>} : memref<8192xi32, #tpu.memory_space<vmem>>, vector<16xi32>,
      %scan3A_139 = arith.constant 0 : i32
      scf.yield %scan3A_139 : i32
    }
    %scan3A_49 = arith.constant 512 : i32
    %dma_start3A_50 = arith.constant 0 : i32
    %dma_start3A_51 = tpu.memref_slice %arg3[%dma_start3A_50] : memref<33554432xf32, #tpu.memory_space<hbm>> -> memref<33554432xf32, #tpu.memory_space<hbm>>
    tpu.enqueue_indirect_dma source(%arg12 : memref<8192xf32, #tpu.memory_space<vmem>>) target(%dma_start3A_51 : memref<33554432xf32, #tpu.memory_space<hbm>>) offsets(%arg9 : memref<8192xi32, #tpu.memory_space<vmem>>) semaphore(%arg13 : memref<!tpu.dma_semaphore, #tpu.memory_space<semaphore_mem>>)
    %mul3A_52 = arith.constant 4 : i32
    %mul3A_53 = arith.muli %add3A, %mul3A_52 : i32
    %add3A_54 = arith.constant 2 : i32
    %add3A_55 = arith.addi %mul3A_53, %add3A_54 : i32
    %mul3A_56 = arith.constant 8192 : i32
    %mul3A_57 = arith.muli %add3A_55, %mul3A_56 : i32
    "tpu.region"() ({
      %run_scoped3A = tpu.sem_alloc : memref<!tpu.dma_semaphore, #tpu.memory_space<semaphore_mem>>
      %dma_start3A_105 = tpu.memref_slice %arg2[%mul3A_57] : memref<3145728xf32, #tpu.memory_space<hbm>> -> memref<8192xf32, #tpu.memory_space<hbm>>
      %dma_start3A_106 = tpu.memref_slice %arg2[%mul3A_57] : memref<3145728xf32, #tpu.memory_space<hbm>> -> memref<8192xf32, #tpu.memory_space<hbm>>
      tpu.enqueue_dma source(%dma_start3A_106 : memref<8192xf32, #tpu.memory_space<hbm>>) target(%arg5 : memref<8192xf32, #tpu.memory_space<vmem>>) target_semaphore(%run_scoped3A : memref<!tpu.dma_semaphore, #tpu.memory_space<semaphore_mem>>)
      %dma_wait3A_107 = tpu.memref_slice %arg2[%mul3A_57] : memref<3145728xf32, #tpu.memory_space<hbm>> -> memref<8192xf32, #tpu.memory_space<hbm>>
      %dma_wait3A_108 = tpu.memref_slice %arg2[%mul3A_57] : memref<3145728xf32, #tpu.memory_space<hbm>> -> memref<8192xf32, #tpu.memory_space<hbm>>
      tpu.wait_dma2 semaphore(%run_scoped3A : memref<!tpu.dma_semaphore, #tpu.memory_space<semaphore_mem>>) src(%dma_wait3A_108 : memref<8192xf32, #tpu.memory_space<hbm>>) dst(%arg5 : memref<8192xf32, #tpu.memory_space<vmem>>)
      tpu.yield
    }) : () -> ()
    %mul3A_58 = arith.constant 8192 : i32
    %mul3A_59 = arith.muli %add3A_55, %mul3A_58 : i32
    %add3A_60 = arith.constant 1048576 : i32
    %add3A_61 = arith.addi %add3A_60, %mul3A_59 : i32
    "tpu.region"() ({
      %run_scoped3A = tpu.sem_alloc : memref<!tpu.dma_semaphore, #tpu.memory_space<semaphore_mem>>
      %dma_start3A_105 = tpu.memref_slice %arg2[%add3A_61] : memref<3145728xf32, #tpu.memory_space<hbm>> -> memref<8192xf32, #tpu.memory_space<hbm>>
      %dma_start3A_106 = tpu.memref_slice %arg2[%add3A_61] : memref<3145728xf32, #tpu.memory_space<hbm>> -> memref<8192xf32, #tpu.memory_space<hbm>>
      tpu.enqueue_dma source(%dma_start3A_106 : memref<8192xf32, #tpu.memory_space<hbm>>) target(%arg6 : memref<8192xf32, #tpu.memory_space<vmem>>) target_semaphore(%run_scoped3A : memref<!tpu.dma_semaphore, #tpu.memory_space<semaphore_mem>>)
      %dma_wait3A_107 = tpu.memref_slice %arg2[%add3A_61] : memref<3145728xf32, #tpu.memory_space<hbm>> -> memref<8192xf32, #tpu.memory_space<hbm>>
      %dma_wait3A_108 = tpu.memref_slice %arg2[%add3A_61] : memref<3145728xf32, #tpu.memory_space<hbm>> -> memref<8192xf32, #tpu.memory_space<hbm>>
      tpu.wait_dma2 semaphore(%run_scoped3A : memref<!tpu.dma_semaphore, #tpu.memory_space<semaphore_mem>>) src(%dma_wait3A_108 : memref<8192xf32, #tpu.memory_space<hbm>>) dst(%arg6 : memref<8192xf32, #tpu.memory_space<vmem>>)
      tpu.yield
    }) : () -> ()
    %mul3A_62 = arith.constant 8192 : i32
    %mul3A_63 = arith.muli %add3A_55, %mul3A_62 : i32
    %add3A_64 = arith.constant 2097152 : i32
    %add3A_65 = arith.addi %add3A_64, %mul3A_63 : i32
    "tpu.region"() ({
      %run_scoped3A = tpu.sem_alloc : memref<!tpu.dma_semaphore, #tpu.memory_space<semaphore_mem>>
      %dma_start3A_105 = tpu.memref_slice %arg2[%add3A_65] : memref<3145728xf32, #tpu.memory_space<hbm>> -> memref<8192xf32, #tpu.memory_space<hbm>>
      %dma_start3A_106 = tpu.memref_slice %arg2[%add3A_65] : memref<3145728xf32, #tpu.memory_space<hbm>> -> memref<8192xf32, #tpu.memory_space<hbm>>
      tpu.enqueue_dma source(%dma_start3A_106 : memref<8192xf32, #tpu.memory_space<hbm>>) target(%arg7 : memref<8192xf32, #tpu.memory_space<vmem>>) target_semaphore(%run_scoped3A : memref<!tpu.dma_semaphore, #tpu.memory_space<semaphore_mem>>)
      %dma_wait3A_107 = tpu.memref_slice %arg2[%add3A_65] : memref<3145728xf32, #tpu.memory_space<hbm>> -> memref<8192xf32, #tpu.memory_space<hbm>>
      %dma_wait3A_108 = tpu.memref_slice %arg2[%add3A_65] : memref<3145728xf32, #tpu.memory_space<hbm>> -> memref<8192xf32, #tpu.memory_space<hbm>>
      tpu.wait_dma2 semaphore(%run_scoped3A : memref<!tpu.dma_semaphore, #tpu.memory_space<semaphore_mem>>) src(%dma_wait3A_108 : memref<8192xf32, #tpu.memory_space<hbm>>) dst(%arg7 : memref<8192xf32, #tpu.memory_space<vmem>>)
      tpu.yield
    }) : () -> ()
    %scan3A_66 = arith.constant 0 : i32
    %scan3A_67 = arith.constant 0 : i32
    %scan3A_68 = arith.constant 512 : i32
    %scan3A_69 = arith.addi %scan3A_67, %scan3A_68 : i32
    %scan3A_70 = arith.constant 1 : i32
    %scan3A_71 = scf.for %scan3A_105 = %scan3A_67 to %scan3A_69 step %scan3A_70 iter_args(%scan3A_106 = %scan3A_66) -> (i32)  : i32 {
      %mul3A_107 = arith.constant 16 : i32
      %mul3A_108 = arith.muli %scan3A_105, %mul3A_107 : i32
      %get3A = arith.index_cast %mul3A_108 : i32 to index
      %get3A_109 = tpu.vector_load %arg5[%get3A] {strides = array<i32>} : memref<8192xf32, #tpu.memory_space<vmem>>, vector<16xf32>,
      %mul3A_110 = arith.constant 6.400000e+01 : f32
      %mul3A_111 = vector.broadcast %mul3A_110 : f32 to vector<16xf32>
      %mul3A_112 = arith.mulf %get3A_109, %mul3A_111 : vector<16xf32>
      %convert_element_type3A = arith.fptosi %mul3A_112 : vector<16xf32> to vector<16xi32>
      %get3A_113 = arith.index_cast %mul3A_108 : i32 to index
      %get3A_114 = tpu.vector_load %arg6[%get3A_113] {strides = array<i32>} : memref<8192xf32, #tpu.memory_space<vmem>>, vector<16xf32>,
      %mul3A_115 = arith.constant 6.400000e+01 : f32
      %mul3A_116 = vector.broadcast %mul3A_115 : f32 to vector<16xf32>
      %mul3A_117 = arith.mulf %get3A_114, %mul3A_116 : vector<16xf32>
      %convert_element_type3A_118 = arith.fptosi %mul3A_117 : vector<16xf32> to vector<16xi32>
      %get3A_119 = arith.index_cast %mul3A_108 : i32 to index
      %get3A_120 = tpu.vector_load %arg7[%get3A_119] {strides = array<i32>} : memref<8192xf32, #tpu.memory_space<vmem>>, vector<16xf32>,
      %mul3A_121 = arith.constant 6.400000e+01 : f32
      %mul3A_122 = vector.broadcast %mul3A_121 : f32 to vector<16xf32>
      %mul3A_123 = arith.mulf %get3A_120, %mul3A_122 : vector<16xf32>
      %convert_element_type3A_124 = arith.fptosi %mul3A_123 : vector<16xf32> to vector<16xi32>
      %mul3A_125 = arith.constant 64 : i32
      %mul3A_126 = vector.broadcast %mul3A_125 : i32 to vector<16xi32>
      %mul3A_127 = arith.muli %convert_element_type3A, %mul3A_126 : vector<16xi32>
      %add3A_128 = arith.addi %mul3A_127, %convert_element_type3A_124 : vector<16xi32>
      %mul3A_129 = arith.constant 64 : i32
      %mul3A_130 = vector.broadcast %mul3A_129 : i32 to vector<16xi32>
      %mul3A_131 = arith.muli %add3A_128, %mul3A_130 : vector<16xi32>
      %add3A_132 = arith.addi %mul3A_131, %convert_element_type3A_118 : vector<16xi32>
      %mul3A_133 = arith.constant 128 : i32
      %mul3A_134 = vector.broadcast %mul3A_133 : i32 to vector<16xi32>
      %mul3A_135 = arith.muli %add3A_132, %mul3A_134 : vector<16xi32>
      %add3A_136 = vector.broadcast %add3A_55 : i32 to vector<16xi32>
      %add3A_137 = arith.addi %mul3A_135, %add3A_136 : vector<16xi32>
      %swap3A = arith.index_cast %mul3A_108 : i32 to index
      %swap3A_138 = tpu.vector_load %arg10[%swap3A] {strides = array<i32>} : memref<8192xi32, #tpu.memory_space<vmem>>, vector<16xi32>,
      tpu.vector_store %arg10[%swap3A], %add3A_137 {strides = array<i32>} : memref<8192xi32, #tpu.memory_space<vmem>>, vector<16xi32>,
      %scan3A_139 = arith.constant 0 : i32
      scf.yield %scan3A_139 : i32
    }
    %scan3A_72 = arith.constant 512 : i32
    %dma_start3A_73 = arith.constant 0 : i32
    %dma_start3A_74 = tpu.memref_slice %arg3[%dma_start3A_73] : memref<33554432xf32, #tpu.memory_space<hbm>> -> memref<33554432xf32, #tpu.memory_space<hbm>>
    tpu.enqueue_indirect_dma source(%arg12 : memref<8192xf32, #tpu.memory_space<vmem>>) target(%dma_start3A_74 : memref<33554432xf32, #tpu.memory_space<hbm>>) offsets(%arg10 : memref<8192xi32, #tpu.memory_space<vmem>>) semaphore(%arg13 : memref<!tpu.dma_semaphore, #tpu.memory_space<semaphore_mem>>)
    %mul3A_75 = arith.constant 4 : i32
    %mul3A_76 = arith.muli %add3A, %mul3A_75 : i32
    %add3A_77 = arith.constant 3 : i32
    %add3A_78 = arith.addi %mul3A_76, %add3A_77 : i32
    %mul3A_79 = arith.constant 8192 : i32
    %mul3A_80 = arith.muli %add3A_78, %mul3A_79 : i32
    "tpu.region"() ({
      %run_scoped3A = tpu.sem_alloc : memref<!tpu.dma_semaphore, #tpu.memory_space<semaphore_mem>>
      %dma_start3A_105 = tpu.memref_slice %arg2[%mul3A_80] : memref<3145728xf32, #tpu.memory_space<hbm>> -> memref<8192xf32, #tpu.memory_space<hbm>>
      %dma_start3A_106 = tpu.memref_slice %arg2[%mul3A_80] : memref<3145728xf32, #tpu.memory_space<hbm>> -> memref<8192xf32, #tpu.memory_space<hbm>>
      tpu.enqueue_dma source(%dma_start3A_106 : memref<8192xf32, #tpu.memory_space<hbm>>) target(%arg5 : memref<8192xf32, #tpu.memory_space<vmem>>) target_semaphore(%run_scoped3A : memref<!tpu.dma_semaphore, #tpu.memory_space<semaphore_mem>>)
      %dma_wait3A_107 = tpu.memref_slice %arg2[%mul3A_80] : memref<3145728xf32, #tpu.memory_space<hbm>> -> memref<8192xf32, #tpu.memory_space<hbm>>
      %dma_wait3A_108 = tpu.memref_slice %arg2[%mul3A_80] : memref<3145728xf32, #tpu.memory_space<hbm>> -> memref<8192xf32, #tpu.memory_space<hbm>>
      tpu.wait_dma2 semaphore(%run_scoped3A : memref<!tpu.dma_semaphore, #tpu.memory_space<semaphore_mem>>) src(%dma_wait3A_108 : memref<8192xf32, #tpu.memory_space<hbm>>) dst(%arg5 : memref<8192xf32, #tpu.memory_space<vmem>>)
      tpu.yield
    }) : () -> ()
    %mul3A_81 = arith.constant 8192 : i32
    %mul3A_82 = arith.muli %add3A_78, %mul3A_81 : i32
    %add3A_83 = arith.constant 1048576 : i32
    %add3A_84 = arith.addi %add3A_83, %mul3A_82 : i32
    "tpu.region"() ({
      %run_scoped3A = tpu.sem_alloc : memref<!tpu.dma_semaphore, #tpu.memory_space<semaphore_mem>>
      %dma_start3A_105 = tpu.memref_slice %arg2[%add3A_84] : memref<3145728xf32, #tpu.memory_space<hbm>> -> memref<8192xf32, #tpu.memory_space<hbm>>
      %dma_start3A_106 = tpu.memref_slice %arg2[%add3A_84] : memref<3145728xf32, #tpu.memory_space<hbm>> -> memref<8192xf32, #tpu.memory_space<hbm>>
      tpu.enqueue_dma source(%dma_start3A_106 : memref<8192xf32, #tpu.memory_space<hbm>>) target(%arg6 : memref<8192xf32, #tpu.memory_space<vmem>>) target_semaphore(%run_scoped3A : memref<!tpu.dma_semaphore, #tpu.memory_space<semaphore_mem>>)
      %dma_wait3A_107 = tpu.memref_slice %arg2[%add3A_84] : memref<3145728xf32, #tpu.memory_space<hbm>> -> memref<8192xf32, #tpu.memory_space<hbm>>
      %dma_wait3A_108 = tpu.memref_slice %arg2[%add3A_84] : memref<3145728xf32, #tpu.memory_space<hbm>> -> memref<8192xf32, #tpu.memory_space<hbm>>
      tpu.wait_dma2 semaphore(%run_scoped3A : memref<!tpu.dma_semaphore, #tpu.memory_space<semaphore_mem>>) src(%dma_wait3A_108 : memref<8192xf32, #tpu.memory_space<hbm>>) dst(%arg6 : memref<8192xf32, #tpu.memory_space<vmem>>)
      tpu.yield
    }) : () -> ()
    %mul3A_85 = arith.constant 8192 : i32
    %mul3A_86 = arith.muli %add3A_78, %mul3A_85 : i32
    %add3A_87 = arith.constant 2097152 : i32
    %add3A_88 = arith.addi %add3A_87, %mul3A_86 : i32
    "tpu.region"() ({
      %run_scoped3A = tpu.sem_alloc : memref<!tpu.dma_semaphore, #tpu.memory_space<semaphore_mem>>
      %dma_start3A_105 = tpu.memref_slice %arg2[%add3A_88] : memref<3145728xf32, #tpu.memory_space<hbm>> -> memref<8192xf32, #tpu.memory_space<hbm>>
      %dma_start3A_106 = tpu.memref_slice %arg2[%add3A_88] : memref<3145728xf32, #tpu.memory_space<hbm>> -> memref<8192xf32, #tpu.memory_space<hbm>>
      tpu.enqueue_dma source(%dma_start3A_106 : memref<8192xf32, #tpu.memory_space<hbm>>) target(%arg7 : memref<8192xf32, #tpu.memory_space<vmem>>) target_semaphore(%run_scoped3A : memref<!tpu.dma_semaphore, #tpu.memory_space<semaphore_mem>>)
      %dma_wait3A_107 = tpu.memref_slice %arg2[%add3A_88] : memref<3145728xf32, #tpu.memory_space<hbm>> -> memref<8192xf32, #tpu.memory_space<hbm>>
      %dma_wait3A_108 = tpu.memref_slice %arg2[%add3A_88] : memref<3145728xf32, #tpu.memory_space<hbm>> -> memref<8192xf32, #tpu.memory_space<hbm>>
      tpu.wait_dma2 semaphore(%run_scoped3A : memref<!tpu.dma_semaphore, #tpu.memory_space<semaphore_mem>>) src(%dma_wait3A_108 : memref<8192xf32, #tpu.memory_space<hbm>>) dst(%arg7 : memref<8192xf32, #tpu.memory_space<vmem>>)
      tpu.yield
    }) : () -> ()
    %scan3A_89 = arith.constant 0 : i32
    %scan3A_90 = arith.constant 0 : i32
    %scan3A_91 = arith.constant 512 : i32
    %scan3A_92 = arith.addi %scan3A_90, %scan3A_91 : i32
    %scan3A_93 = arith.constant 1 : i32
    %scan3A_94 = scf.for %scan3A_105 = %scan3A_90 to %scan3A_92 step %scan3A_93 iter_args(%scan3A_106 = %scan3A_89) -> (i32)  : i32 {
      %mul3A_107 = arith.constant 16 : i32
      %mul3A_108 = arith.muli %scan3A_105, %mul3A_107 : i32
      %get3A = arith.index_cast %mul3A_108 : i32 to index
      %get3A_109 = tpu.vector_load %arg5[%get3A] {strides = array<i32>} : memref<8192xf32, #tpu.memory_space<vmem>>, vector<16xf32>,
      %mul3A_110 = arith.constant 6.400000e+01 : f32
      %mul3A_111 = vector.broadcast %mul3A_110 : f32 to vector<16xf32>
      %mul3A_112 = arith.mulf %get3A_109, %mul3A_111 : vector<16xf32>
      %convert_element_type3A = arith.fptosi %mul3A_112 : vector<16xf32> to vector<16xi32>
      %get3A_113 = arith.index_cast %mul3A_108 : i32 to index
      %get3A_114 = tpu.vector_load %arg6[%get3A_113] {strides = array<i32>} : memref<8192xf32, #tpu.memory_space<vmem>>, vector<16xf32>,
      %mul3A_115 = arith.constant 6.400000e+01 : f32
      %mul3A_116 = vector.broadcast %mul3A_115 : f32 to vector<16xf32>
      %mul3A_117 = arith.mulf %get3A_114, %mul3A_116 : vector<16xf32>
      %convert_element_type3A_118 = arith.fptosi %mul3A_117 : vector<16xf32> to vector<16xi32>
      %get3A_119 = arith.index_cast %mul3A_108 : i32 to index
      %get3A_120 = tpu.vector_load %arg7[%get3A_119] {strides = array<i32>} : memref<8192xf32, #tpu.memory_space<vmem>>, vector<16xf32>,
      %mul3A_121 = arith.constant 6.400000e+01 : f32
      %mul3A_122 = vector.broadcast %mul3A_121 : f32 to vector<16xf32>
      %mul3A_123 = arith.mulf %get3A_120, %mul3A_122 : vector<16xf32>
      %convert_element_type3A_124 = arith.fptosi %mul3A_123 : vector<16xf32> to vector<16xi32>
      %mul3A_125 = arith.constant 64 : i32
      %mul3A_126 = vector.broadcast %mul3A_125 : i32 to vector<16xi32>
      %mul3A_127 = arith.muli %convert_element_type3A, %mul3A_126 : vector<16xi32>
      %add3A_128 = arith.addi %mul3A_127, %convert_element_type3A_124 : vector<16xi32>
      %mul3A_129 = arith.constant 64 : i32
      %mul3A_130 = vector.broadcast %mul3A_129 : i32 to vector<16xi32>
      %mul3A_131 = arith.muli %add3A_128, %mul3A_130 : vector<16xi32>
      %add3A_132 = arith.addi %mul3A_131, %convert_element_type3A_118 : vector<16xi32>
      %mul3A_133 = arith.constant 128 : i32
      %mul3A_134 = vector.broadcast %mul3A_133 : i32 to vector<16xi32>
      %mul3A_135 = arith.muli %add3A_132, %mul3A_134 : vector<16xi32>
      %add3A_136 = vector.broadcast %add3A_78 : i32 to vector<16xi32>
      %add3A_137 = arith.addi %mul3A_135, %add3A_136 : vector<16xi32>
      %swap3A = arith.index_cast %mul3A_108 : i32 to index
      %swap3A_138 = tpu.vector_load %arg11[%swap3A] {strides = array<i32>} : memref<8192xi32, #tpu.memory_space<vmem>>, vector<16xi32>,
      tpu.vector_store %arg11[%swap3A], %add3A_137 {strides = array<i32>} : memref<8192xi32, #tpu.memory_space<vmem>>, vector<16xi32>,
      %scan3A_139 = arith.constant 0 : i32
      scf.yield %scan3A_139 : i32
    }
    %scan3A_95 = arith.constant 512 : i32
    %dma_start3A_96 = arith.constant 0 : i32
    %dma_start3A_97 = tpu.memref_slice %arg3[%dma_start3A_96] : memref<33554432xf32, #tpu.memory_space<hbm>> -> memref<33554432xf32, #tpu.memory_space<hbm>>
    tpu.enqueue_indirect_dma source(%arg12 : memref<8192xf32, #tpu.memory_space<vmem>>) target(%dma_start3A_97 : memref<33554432xf32, #tpu.memory_space<hbm>>) offsets(%arg11 : memref<8192xi32, #tpu.memory_space<vmem>>) semaphore(%arg13 : memref<!tpu.dma_semaphore, #tpu.memory_space<semaphore_mem>>)
    %dma_wait3A = arith.constant 0 : i32
    %dma_wait3A_98 = tpu.memref_slice %arg3[%dma_wait3A] : memref<33554432xf32, #tpu.memory_space<hbm>> -> memref<33554432xf32, #tpu.memory_space<hbm>>
    tpu.wait_indirect_dma semaphore(%arg13 : memref<!tpu.dma_semaphore, #tpu.memory_space<semaphore_mem>>) src(%arg12 : memref<8192xf32, #tpu.memory_space<vmem>>) dst(%dma_wait3A_98 : memref<33554432xf32, #tpu.memory_space<hbm>>)
    %dma_wait3A_99 = arith.constant 0 : i32
    %dma_wait3A_100 = tpu.memref_slice %arg3[%dma_wait3A_99] : memref<33554432xf32, #tpu.memory_space<hbm>> -> memref<33554432xf32, #tpu.memory_space<hbm>>
    tpu.wait_indirect_dma semaphore(%arg13 : memref<!tpu.dma_semaphore, #tpu.memory_space<semaphore_mem>>) src(%arg12 : memref<8192xf32, #tpu.memory_space<vmem>>) dst(%dma_wait3A_100 : memref<33554432xf32, #tpu.memory_space<hbm>>)
    %dma_wait3A_101 = arith.constant 0 : i32
    %dma_wait3A_102 = tpu.memref_slice %arg3[%dma_wait3A_101] : memref<33554432xf32, #tpu.memory_space<hbm>> -> memref<33554432xf32, #tpu.memory_space<hbm>>
    tpu.wait_indirect_dma semaphore(%arg13 : memref<!tpu.dma_semaphore, #tpu.memory_space<semaphore_mem>>) src(%arg12 : memref<8192xf32, #tpu.memory_space<vmem>>) dst(%dma_wait3A_102 : memref<33554432xf32, #tpu.memory_space<hbm>>)
    %dma_wait3A_103 = arith.constant 0 : i32
    %dma_wait3A_104 = tpu.memref_slice %arg3[%dma_wait3A_103] : memref<33554432xf32, #tpu.memory_space<hbm>> -> memref<33554432xf32, #tpu.memory_space<hbm>>
    tpu.wait_indirect_dma semaphore(%arg13 : memref<!tpu.dma_semaphore, #tpu.memory_space<semaphore_mem>>) src(%arg12 : memref<8192xf32, #tpu.memory_space<vmem>>) dst(%dma_wait3A_104 : memref<33554432xf32, #tpu.memory_space<hbm>>)
    return
  }
}

</mosaic_0001>

<sc_bundles>
// kernel: kernel.3.cloned.1.call-start
scs
__scs_entry_jumppad:
0x0: {  	(pc) =	sbr.rel $0x88, $3  }
0x1: {  	(tag) =	ssettag $0x0;
	lr =	simm.s32 $0x1  }
0x2: {  	[smem:$0x3FA0] =	sst lr;
	_ =	strace $0xD0000000  }
0x3: {  	_ = 	snop  }
0x4: {  	_ = 	snop  }
0x5: {  	_ = 	snop  }
0x6: {  	_ = 	snop  }
0x7: {  	_ = 	snop  }
__scs_overlays_trampoline_lowered:
0x8: {  	[smem:$0x3FAF] =	sst s0  }
0x9: {  	[smem:$0x3FB0] =	sst s1  }
0xa: {  	[smem:$0x3FB1] =	sst s2  }
0xb: {  	[smem:$0x3FB2] =	sst s3  }
0xc: {  	[smem:$0x3FB3] =	sst s4  }
0xd: {  	[smem:$0x3FB4] =	sst s5  }
0xe: {  	[smem:$0x3FB5] =	sst s6  }
0xf: {  	[smem:$0x3FB6] =	sst s7  }
0x10: {  	[smem:$0x3FB7] =	sst s8  }
0x11: {  	[smem:$0x3FB8] =	sst s9;
	s0 =	simm.s32 @!p0 $0x0  }
0x12: {  	s1 =	sld [smem:$0x3F9E];
	s0 =	simm.s32 @p0 $0x1  }
0x13: {  	[smem:$0x3FB9] =	sst s0;
	s0 =	simm.s32 @!p1 $0x0  }
0x14: {  	s2 =	sld [smem:$0x3F9D];
	s0 =	simm.s32 @p1 $0x1  }
0x15: {  	[smem:$0x3FBA] =	sst s0;
	s0 =	simm.s32 @!p2 $0x0  }
0x16: {  	s3 =	sld [smem:$0x3FDB];
	s0 =	simm.s32 @p2 $0x1  }
0x17: {  	s4 =	simm.s32 $0x1BF5;
	[smem:$0x3FBC] =	sst s0  }
0x18: {  	s0 =	sld [smem:$0x3F9F];
	_ =	swait.ge [sflag:s4], $0x0  }
0x19: {  	s7 =	sld [smem:$0x3FA0]  }
0x1a: {  	s8 =	sadd.s32 $0xFFFFE003, lr  }
0x1b: {  	s9 =	sadd.s32 $0xFFFFFEF7, lr;
	s5 =	simm.s32 $0xFFFFFFFF;
	p2 =	slt.u32 s8, $0xFFFFF086  }
0x1c: {  	p1 =	slt.u32 s9, $0xF7A;
	s5 =	simm.s32 @!p2 $0x0  }
0x1d: {  	s5 =	simm.s32 @p1 $0x1;
	p0 =	seq.s32 s7, s2  }
0x1e: {  	s7 =	smul.u32 @!p0 $0xF7A, s2;
	p2 =	seq.s32 @!p0 s5, $0x0  }
0x1f: {  	s9 =	smul.u32 $0xF7A, s1;
	s8 =	simm.s32 @!p0 $0x1BF5;
	p2 =	por !p2, p0  }
0x20: {  	[sflag:s8] =	ssyncset.s32 @!p0 $0xFFFFF086;
	s6 =	sadd.s32 @!p0 s3, s7;
	s7 =	simm.s32 @!p0 $0x108  }
0x21: {  	s3 =	sadd.s32 s3, s9;
	s6 =	sadd.s32 @!p0 $0x88, s6;
	s7 =	simm.s32 @p2 $0x1082  }
0x22: {  	[simem:s7], [sflag:s8] =	dma.local @!p0 [hbm:s6], $0xF7A  }
0x23: {  	s9 =	sor.u32 $0xD0000000, s2;
	s6 =	simm.s32 $0x108;
	_ =	swait.ge @!p0 [sflag:s8], $0x0  }
0x24: {  	s3 =	sadd.s32 $0x88, s3;
	s6 =	simm.s32 @!p1 $0x1082;
	[sflag:s4] =	ssyncset.s32 $0xFFFFF086  }
0x25: {  	[simem:s6], [sflag:s4] =	dma.local [hbm:s3], $0xF7A  }
0x26: {  	[smem:$0x3FA0] =	sst s1;
	(tag) =	ssettag s2;
	_ =	strace s9  }
0x27: {  	s1 =	sld [smem:$0x3FB0]  }
0x28: {  	s2 =	sld [smem:$0x3FB1]  }
0x29: {  	s4 =	sld [smem:$0x3FB3]  }
0x2a: {  	p0 =	seq.s32 s5, $0x0;
	s5 =	sld [smem:$0x3FB4]  }
0x2b: {  	s6 =	sld [smem:$0x3FB5]  }
0x2c: {  	s7 =	sld [smem:$0x3FB6]  }
0x2d: {  	s3 =	simm.s32 $0x108;
	s8 =	sld [smem:$0x3FB7]  }
0x2e: {  	s3 =	simm.s32 @!p0 $0x1082;
	s9 =	sld [smem:$0x3FB8]  }
0x2f: {  	lr =	sadd.s32 s0, s3;
	s0 =	sld [smem:$0x3FAF]  }
0x30: {  	s3 =	sld [smem:$0x3FB2]  }
0x31: {  	[smem:$0x3FBB] =	sst s10  }
0x32: {  	s10 =	sld [smem:$0x3FB9];
	_ =	sdelay $0x3  }
0x33: {  	p0 =	seq.s32 s10, $0x1;
	s10 =	sld [smem:$0x3FBB];
	_ =	sdelay $0x3  }
0x34: {  	[smem:$0x3FBB] =	sst s10  }
0x35: {  	s10 =	sld [smem:$0x3FBA];
	_ =	sdelay $0x3  }
0x36: {  	p1 =	seq.s32 s10, $0x1;
	s10 =	sld [smem:$0x3FBB];
	_ =	sdelay $0x3  }
0x37: {  	[smem:$0x3FBB] =	sst s10  }
0x38: {  	s10 =	sld [smem:$0x3FBC]  }
0x39: {  	_ = 	snop;
	(pc) =	sbr.ind lr, $3  }
0x3a: {  	_ = 	snop  }
0x3b: {  	_ = 	snop  }
0x3c: {  	p2 =	seq.s32 s10, $0x1;
	s10 =	sld [smem:$0x3FBB]  }
0x3d: {  	_ =	shalt  }
0x3e: {  	_ =	shalt  }
0x3f: {  	_ =	shalt  }
0x40: {  	_ =	shalt  }
0x41: {  	_ =	shalt  }
0x42: {  	_ =	shalt  }
0x43: {  	_ =	shalt  }
0x44: {  	_ =	shalt  }
0x45: {  	_ =	shalt  }
0x46: {  	_ =	shalt  }
0x47: {  	_ =	shalt  }
0x48: {  	_ =	shalt  }
0x49: {  	_ =	shalt  }
0x4a: {  	_ =	shalt  }
0x4b: {  	_ =	shalt  }
0x4c: {  	_ =	shalt  }
0x4d: {  	_ =	shalt  }
0x4e: {  	_ =	shalt  }
0x4f: {  	_ =	shalt  }
0x50: {  	_ =	shalt  }
0x51: {  	_ =	shalt  }
0x52: {  	_ =	shalt  }
0x53: {  	_ =	shalt  }
0x54: {  	_ =	shalt  }
0x55: {  	_ =	shalt  }
0x56: {  	_ =	shalt  }
0x57: {  	_ =	shalt  }
0x58: {  	_ =	shalt  }
0x59: {  	_ =	shalt  }
0x5a: {  	_ =	shalt  }
0x5b: {  	_ =	shalt  }
0x5c: {  	_ =	shalt  }
0x5d: {  	_ =	shalt  }
0x5e: {  	_ =	shalt  }
0x5f: {  	_ =	shalt  }
0x60: {  	_ =	shalt  }
0x61: {  	_ =	shalt  }
0x62: {  	_ =	shalt  }
0x63: {  	_ =	shalt  }
0x64: {  	_ =	shalt  }
0x65: {  	_ =	shalt  }
0x66: {  	_ =	shalt  }
0x67: {  	_ =	shalt  }
0x68: {  	_ =	shalt  }
0x69: {  	_ =	shalt  }
0x6a: {  	_ =	shalt  }
0x6b: {  	_ =	shalt  }
0x6c: {  	_ =	shalt  }
0x6d: {  	_ =	shalt  }
0x6e: {  	_ =	shalt  }
0x6f: {  	_ =	shalt  }
0x70: {  	_ =	shalt  }
0x71: {  	_ =	shalt  }
0x72: {  	_ =	shalt  }
0x73: {  	_ =	shalt  }
0x74: {  	_ =	shalt  }
0x75: {  	_ =	shalt  }
0x76: {  	_ =	shalt  }
0x77: {  	_ =	shalt  }
0x78: {  	_ =	shalt  }
0x79: {  	_ =	shalt  }
0x7a: {  	_ =	shalt  }
0x7b: {  	_ =	shalt  }
0x7c: {  	_ =	shalt  }
0x7d: {  	_ =	shalt  }
0x7e: {  	_ =	shalt  }
0x7f: {  	_ =	shalt  }
0x80: {  	_ =	shalt  }
0x81: {  	_ =	shalt  }
0x82: {  	_ =	shalt  }
0x83: {  	_ =	shalt  }
0x84: {  	_ =	shalt  }
0x85: {  	_ =	shalt  }
0x86: {  	_ =	shalt  }
0x87: {  	_ =	shalt  }
.Lfunc_end0:
.L_simem_size_0:
called_computation_lowered:
.L_overlay_start_0:
0x88: {  	s2 =	sld [smem:$0x3FD9]  }
0x89: {  	s3 =	sld [smem:$0x3FFE];
	_ =	sdelay $0x1  }
0x8a: {  	s1 =	srdreg.scid  }
0x8b: {  	s0 =	sand.u32 $0x1, s1  }
0x8c: {  	s17 =	sshll.u32 s0, $0xA;
	s2 =	sadd.s32 s3, s2  }
0x8d: {  	s2 =	sadd.s32 s2, s17  }
0x8e: {  	[smem:$0x3FC7] =	sst s2  }
0x8f: {  	_ = 	snop  }
0x90: {  	s2 =	sld [smem:$0x3FD0];
	(tm) =	ssettm $0x1  }
0x91: {  	s18 =	sld [smem:$0x3FFB];
	_ =	sdelay $0x3  }
0x92: {  	_ =	strace s18  }
0x93: {  	s3 =	sld [smem:$0x3FFC];
	_ =	sdelay $0x3  }
0x94: {  	_ =	strace s3  }
0x95: {  	s3 =	sld [smem:$0x3FFD];
	_ =	sdelay $0x3  }
0x96: {  	_ =	strace s3  }
0x97: {  	_ =	strace $0x8FFFFFFF  }
0x98: {  	s19 =	sld [smem:$0x3FDB];
	_ =	sdelay $0x1  }
0x99: {  	s4 =	simm.s32 $_scs_section_size  }
0x9a: {  	s5 =	simm.s32 $_size__tile_overlayer_lowered;
	s6 =	simm.s32 $_tile_overlayer_lowered  }
0x9b: {  	s22 =	simm.s32 $0x1BFF;
	s21 =	sshll.u32 s6, $0x1;
	s3 =	sadd.s32 s4, s19  }
0x9c: {  	s7 =	simm.s32 $0x0;
	s20 =	sshll.u32 s5, $0x1;
	s5 =	sadd.s32 s21, s3  }
0x9d: {  	[timem:s7], [sflag:s22] =	dma.local [hbm:s5], s20  }
0x9e: {  	_ =	swait.ge [sflag:s22], s20  }
0x9f: {  	s4 =	ssub.s32 $0x0, s20;
	[sflag:s22] =	ssyncset.done $0x0  }
0xa0: {  	[sflag:s22] =	ssyncadd.s32 s4;
	_ =	sdelay $0x1  }
0xa1: {  	s23 =	simm.s32 $0x1B8B  }
0xa2: {  	_ =	swait.ge [sflag:s23], $0x1  }
0xa3: {  	[sflag:s23] =	ssyncset.done $0x0  }
0xa4: {  	s25 =	simm.s32 $0x1B8E;
	s24 =	sld [smem:$0x3FFE];
	[sflag:s23] =	ssyncadd.s32 $0xFFFFFFFF  }
0xa5: {  	s26 =	simm.s32 $execute0_lowered;
	[smem:$0x3FD2] =	sst s25  }
0xa6: {  	s5 =	sshll.u32 s26, $0x1;
	_ =	strace $0x80000046;
	[dreg:$0x1] =	wrdreg $0xFFFFFFFF  }
0xa7: {  	s28 =	simm.s32 $_size_execute0_lowered;
	s3 =	sadd.s32 s3, s5;
	[dreg:$0x0] =	wrdreg $0x0  }
0xa8: {  	s5 =	sshll.u32 s28, $0x1;
	[dreg:$0x2] =	wrdreg s3  }
0xa9: {  	[dreg:$0x3] =	wrdreg s5  }
0xaa: {  	[dreg:$0x4] =	wrdreg $0xC0  }
0xab: {  	_ =	task [dreg:s7], $0x5FFFF  }
0xac: {  	[dreg:$0x1] =	wrdreg $0xFFFFFFFF  }
0xad: {  	[dreg:$0x0] =	wrdreg $0x60  }
0xae: {  	[dreg:$0x2] =	wrdreg s24  }
0xaf: {  	[dreg:$0x3] =	wrdreg s2  }
0xb0: {  	[dreg:$0x4] =	wrdreg $0x9  }
0xb1: {  	_ =	task.clear_ibuf [dreg:s7], $0x5FFFF;
	_ =	strace $0x90000046  }
0xb2: {  	s29 =	simm.s32 $0x9;
	_ =	strace $0x80000048  }
0xb3: {  	_ =	swait.ge [sflag:s29], $0x1  }
0xb4: {  	[sflag:s29] =	ssyncadd.s32 $0xFFFFFFFF  }
0xb5: {  	_ =	strace $0x90000048  }
0xb6: {  	_ =	sfence  }
0xb7: {  	s30 =	sld [smem:$0x0];
	_ =	sdelay $0x2  }
0xb8: {  	s31 =	sshll.u32 s1, $0xD;
	s1 =	sshrl.u32 s1, $0x2  }
0xb9: {  	s3 =	sand.u32 $0x4000, s31;
	s1 =	sadd.s32 s1, s30  }
0xba: {  	s0 =	sor.u32 s3, s0;
	s1 =	sshll.u32 s1, $0x11  }
0xbb: {  	s0 =	sor.u32 s1, s0  }
0xbc: {  	s0 =	sadd.s32 $0x8F2B, s0  }
0xbd: {  	[sflag:s0] =	ssyncadd.remote.s32 $0x1  }
0xbe: {  	_ =	sfence.sel $0xFFFF  }
0xbf: {  	[dreg:$0x0] =	wrdreg $0xFFFFFFFF;
	(pc) =	sbr.abs _section_cstart, $3  }
0xc0: {  	[dreg:$0x1] =	wrdreg $0xFFFFFFFF  }
0xc1: {  	_ =	task.clear_ibuf [dreg:s7], $0x2FFFF;
	_ =	strace $0x9FFFFFFF  }
0xc2: {  	(tm) =	ssettm $0x7FFFFFFF  }
0xc3: {  	_ =	shalt  }
tec
execute0_lowered:
.L_overlay_start_1:
0x0: {  	(tag) =	ssettag $0x1  }
0x1: {  	s6 =	rddreg [dreg:$0x0]  }
0x2: {  	s1 =	rddreg [dreg:$0x1]  }
0x3: {  	s0 =	rddreg [dreg:$0x2];
	s3 =	simm.s32 $0x0;
	s4 =	srdreg.scid  }
0x4: {  	s2 =	stileid.u32;
	s18 =	simm.s32 $0x2000;
	s19 =	simm.s32 $0x4000  }
0x5: {  	s22 =	simm.s32 $0x8000;
	s25 =	simm.s32 $0x1;
	[smem:$0x7FF] =	sst s3  }
0x6: {  	s4 =	sand.u32 $0x1, s4;
	s7 =	sshll.u32 s2, $0x1;
	s13 =	sadd.s32 $0x400, s6  }
0x7: {  	s14 =	sadd.s32 $0x20400, s6;
	s15 =	sadd.s32 $0x40400, s6;
	s5 =	ssub.s32 $0x2, s4  }
0x8: {  	_ =	strace $0x80000047;
	s9 =	sor.u32 s4, s7;
	s8 =	sshrl.u32 s5, $0x1  }
0x9: {  	s20 =	sshll.u32 s9, $0x2;
	s7 =	sshll.u32 s9, $0xC;
	s24 =	sshllo.u32 s9, $0x2  }
0xa: {  	s16 =	ssub.s32 s5, s8;
	s4 =	sadd.s32 s13, s7;
	s21 =	sor.u32 $0x1, s20  }
0xb: {  	s5 =	sadd.s32 s7, s14;
	s6 =	sadd.s32 s7, s15;
	s23 =	sor.u32 $0x2, s20  }
0xc: {  	s17 =	sshll.u32 s24, $0xA;
	v0 =	vmov s20;
	s20 =	simm.s32 $0x6000;
	v3 =	vmov s24;
	s24 =	simm.s32 $0xC000  }
0xd: {  	s10 =	sshll.u32 s21, $0xA;
	s12 =	sshll.u32 s23, $0xA;
	s16 =	smax.u32 s16, $0x1  }
0xe: {  	v1 =	vmov s21;
	s21 =	simm.s32 $0xE000;
	v2 =	vmov s23;
	s23 =	simm.s32 $0xA000;
	s7 =	sadd.s32 s13, s10  }
0xf: {  	s8 =	sadd.s32 s10, s14;
	s9 =	sadd.s32 s10, s15;
	s10 =	sadd.s32 s13, s12  }
0x10: {  	s11 =	sadd.s32 s12, s14;
	s12 =	sadd.s32 s12, s15;
	s13 =	sadd.s32 s13, s17  }
0x11: {  	v4 =	vimm.f32 $1.000000000e+00;
	s14 =	sadd.s32 s17, s14;
	s15 =	sadd.s32 s17, s15;
	s17 =	simm.s32 $0x2  }
.LBB2_1:
0x12: {  	s26 =	simm.s32 $0x40;
	s28 =	simm.s32 $0x0  }
.LBB2_2:
0x13: {  	p0 =	sne.s32 s26, $0x7FC0;
	[tilespmem:s28+$0xE000] =	vst v4;
	s28 =	smov.u32 s26;
	s26 =	sadd.s32 $0x40, s26  }
.Ltmp0:
0x14: {  	(pc) =	sbr.rel @p0 .LBB2_2-.Ltmp0, $2  }
0x15: {  	_ =	sdelay $0x2  }
0x16: {  	s28 =	sshra.s32 s28, $0x2  }
0x17: {  	[tilespmem:s28+$0xE000] =	vst v4;
	s26 =	simm.s32 $0x0  }
0x18: {  	[tilespmem:s26], [sflag:$0x2] =	stream.linear.gather [hbm4b:s4+s26], $0x2000, $0x38;
	[tilespmem:$0x10000] =	vst v63  }
0x19: {  	_ =	swait.ge [sflag:s17], $0x2000  }
0x1a: {  	[sflag:s17] =	ssyncset.done $0x0  }
0x1b: {  	[sflag:s17] =	ssyncadd.s32 $0xFFFFE000  }
0x1c: {  	[tilespmem:s18], [sflag:$0x2] =	stream.linear.gather [hbm4b:s5+s26], $0x2000, $0x38;
	[tilespmem:$0x10000] =	vst v63  }
0x1d: {  	_ =	swait.ge [sflag:s17], $0x2000  }
0x1e: {  	[sflag:s17] =	ssyncset.done $0x0  }
0x1f: {  	[sflag:s17] =	ssyncadd.s32 $0xFFFFE000  }
0x20: {  	[tilespmem:s19], [sflag:$0x2] =	stream.linear.gather [hbm4b:s6+s26], $0x2000, $0x38;
	[tilespmem:$0x10000] =	vst v63  }
0x21: {  	_ =	swait.ge [sflag:s17], $0x2000  }
0x22: {  	[sflag:s17] =	ssyncset.done $0x0  }
0x23: {  	s26 =	simm.s32 $0x0;
	[sflag:s17] =	ssyncadd.s32 $0xFFFFE000  }
0x24: {  	v5 =	vld [tilespmem:s26+$0x4000]  }
0x25: {  	v7 =	vld [tilespmem:s26+$0x2000]  }
0x26: {  	v6 =	vld [tilespmem:s26+$0x0];
	_ =	sdelay $0x2  }
0x27: {  	s28 =	simm.s32 $0x10  }
0x28: {  	v8 =	vmul.f32 $6.400000000e+01, v5;
	v7 =	vmul.f32 $6.400000000e+01, v7;
	v5 =	vld [tilespmem:s28+$0x4000]  }
0x29: {  	v9 =	vmul.f32 $6.400000000e+01, v6;
	v6 =	vld [tilespmem:s28+$0x0]  }
0x2a: {  	v11 =	vtrunc.f32 v7;
	v7 =	vld [tilespmem:s28+$0x2000]  }
0x2b: {  	v8 =	vtrunc.f32 v8;
	v9 =	vtrunc.f32 v9  }
0x2c: {  	s29 =	simm.s32 $0x80;
	v10 =	vcvt.f32.s32 v9;
	v9 =	vcvt.f32.s32 v11  }
.LBB2_4:
0x2d: {  	s30 =	sshra.s32 s29, $0x2;
	v11 =	vmul.f32 $6.400000000e+01, v5;
	v8 =	vcvt.f32.s32 v8;
	p0 =	sne.s32 s29, $0x7FC0  }
.Ltmp1:
0x2e: {  	v5 =	vld [tilespmem:s30+$0x4000];
	v12 =	vmul.f32 $6.400000000e+01, v6;
	v10 =	vshll.u32 v10, $0x13;
	v9 =	vshll.u32 v9, $0x7;
	(pc) =	sbr.rel @p0 .LBB2_4-.Ltmp1, $4  }
0x2f: {  	s29 =	sadd.s32 $0x40, s29;
	v6 =	vld [tilespmem:s30+$0x0];
	v13 =	vmul.f32 $6.400000000e+01, v7;
	v14 =	vshll.u32 v8, $0xD;
	v9 =	vadd.s32 v9, v10  }
0x30: {  	v8 =	vtrunc.f32 v11;
	v7 =	vld [tilespmem:s30+$0x2000];
	v9 =	vadd.s32 v9, v14  }
0x31: {  	v10 =	vtrunc.f32 v12;
	v11 =	vtrunc.f32 v13;
	v12 =	vor.u32 v0, v9  }
0x32: {  	v10 =	vcvt.f32.s32 v10;
	v9 =	vcvt.f32.s32 v11;
	[tilespmem:s26+$0x6000] =	vst v12;
	s26 =	smov.u32 s28;
	s28 =	smov.u32 s30  }
0x33: {  	_ = 	snop  }
0x34: {  	v5 =	vmul.f32 $6.400000000e+01, v5  }
0x35: {  	v6 =	vmul.f32 $6.400000000e+01, v6;
	v7 =	vmul.f32 $6.400000000e+01, v7  }
0x36: {  	v8 =	vcvt.f32.s32 v8;
	v5 =	vtrunc.f32 v5  }
0x37: {  	v6 =	vtrunc.f32 v6;
	v7 =	vtrunc.f32 v7  }
0x38: {  	v10 =	vshll.u32 v10, $0x13;
	v6 =	vcvt.f32.s32 v6;
	v7 =	vcvt.f32.s32 v7  }
0x39: {  	v9 =	vshll.u32 v9, $0x7;
	v8 =	vshll.u32 v8, $0xD;
	v5 =	vcvt.f32.s32 v5  }
0x3a: {  	v9 =	vadd.s32 v9, v10;
	v6 =	vshll.u32 v6, $0x13;
	v7 =	vshll.u32 v7, $0x7  }
0x3b: {  	v8 =	vadd.s32 v9, v8;
	v5 =	vshll.u32 v5, $0xD;
	v6 =	vadd.s32 v7, v6  }
0x3c: {  	v7 =	vor.u32 v0, v8;
	v5 =	vadd.s32 v6, v5  }
0x3d: {  	[tilespmem:s26+$0x6000] =	vst v7;
	v5 =	vor.u32 v0, v5  }
0x3e: {  	[tilespmem:s28+$0x6000] =	vst v5  }
0x3f: {  	[hbm4b:s1+s18] =	stream.indirect.scatter [tilespmem:s21], [sflag:$0x1], $0x1, s20, s18, $0xb8;
	[tilespmem:$0x10000] =	vst v63  }
0x40: {  	s31 =	simm.s32 $0x0  }
0x41: {  	[tilespmem:s31], [sflag:$0x2] =	stream.linear.gather [hbm4b:s7+s31], $0x2000, $0x38;
	[tilespmem:$0x10000] =	vst v63  }
0x42: {  	_ =	swait.ge [sflag:s17], $0x2000  }
0x43: {  	[sflag:s17] =	ssyncset.done $0x0  }
0x44: {  	[sflag:s17] =	ssyncadd.s32 $0xFFFFE000  }
0x45: {  	[tilespmem:s18], [sflag:$0x2] =	stream.linear.gather [hbm4b:s8+s31], $0x2000, $0x38;
	[tilespmem:$0x10000] =	vst v63  }
0x46: {  	_ =	swait.ge [sflag:s17], $0x2000  }
0x47: {  	[sflag:s17] =	ssyncset.done $0x0  }
0x48: {  	[sflag:s17] =	ssyncadd.s32 $0xFFFFE000  }
0x49: {  	[tilespmem:s19], [sflag:$0x2] =	stream.linear.gather [hbm4b:s9+s31], $0x2000, $0x38;
	[tilespmem:$0x10000] =	vst v63  }
0x4a: {  	_ =	swait.ge [sflag:s17], $0x2000  }
0x4b: {  	[sflag:s17] =	ssyncset.done $0x0  }
0x4c: {  	s26 =	simm.s32 $0x0;
	[sflag:s17] =	ssyncadd.s32 $0xFFFFE000  }
0x4d: {  	v5 =	vld [tilespmem:s26+$0x4000]  }
0x4e: {  	v7 =	vld [tilespmem:s26+$0x2000]  }
0x4f: {  	v6 =	vld [tilespmem:s26+$0x0];
	_ =	sdelay $0x2  }
0x50: {  	s28 =	simm.s32 $0x10  }
0x51: {  	v8 =	vmul.f32 $6.400000000e+01, v5;
	v7 =	vmul.f32 $6.400000000e+01, v7;
	v5 =	vld [tilespmem:s28+$0x4000]  }
0x52: {  	v9 =	vmul.f32 $6.400000000e+01, v6;
	v6 =	vld [tilespmem:s28+$0x0]  }
0x53: {  	v11 =	vtrunc.f32 v7;
	v7 =	vld [tilespmem:s28+$0x2000]  }
0x54: {  	v8 =	vtrunc.f32 v8;
	v9 =	vtrunc.f32 v9  }
0x55: {  	s29 =	simm.s32 $0x80;
	v10 =	vcvt.f32.s32 v9;
	v9 =	vcvt.f32.s32 v11  }
.LBB2_6:
0x56: {  	s30 =	sshra.s32 s29, $0x2;
	v11 =	vmul.f32 $6.400000000e+01, v5;
	v8 =	vcvt.f32.s32 v8;
	p0 =	sne.s32 s29, $0x7FC0  }
.Ltmp2:
0x57: {  	v5 =	vld [tilespmem:s30+$0x4000];
	v12 =	vmul.f32 $6.400000000e+01, v6;
	v10 =	vshll.u32 v10, $0x13;
	v9 =	vshll.u32 v9, $0x7;
	(pc) =	sbr.rel @p0 .LBB2_6-.Ltmp2, $4  }
0x58: {  	s29 =	sadd.s32 $0x40, s29;
	v6 =	vld [tilespmem:s30+$0x0];
	v13 =	vmul.f32 $6.400000000e+01, v7;
	v14 =	vshll.u32 v8, $0xD;
	v9 =	vadd.s32 v9, v10  }
0x59: {  	v8 =	vtrunc.f32 v11;
	v7 =	vld [tilespmem:s30+$0x2000];
	v9 =	vadd.s32 v9, v14  }
0x5a: {  	v10 =	vtrunc.f32 v12;
	v11 =	vtrunc.f32 v13;
	v12 =	vor.u32 v1, v9  }
0x5b: {  	v10 =	vcvt.f32.s32 v10;
	v9 =	vcvt.f32.s32 v11;
	[tilespmem:s26+$0x8000] =	vst v12;
	s26 =	smov.u32 s28;
	s28 =	smov.u32 s30  }
0x5c: {  	_ = 	snop  }
0x5d: {  	v5 =	vmul.f32 $6.400000000e+01, v5  }
0x5e: {  	v6 =	vmul.f32 $6.400000000e+01, v6;
	v7 =	vmul.f32 $6.400000000e+01, v7  }
0x5f: {  	v8 =	vcvt.f32.s32 v8;
	v5 =	vtrunc.f32 v5  }
0x60: {  	v6 =	vtrunc.f32 v6;
	v7 =	vtrunc.f32 v7  }
0x61: {  	v10 =	vshll.u32 v10, $0x13;
	v6 =	vcvt.f32.s32 v6;
	v7 =	vcvt.f32.s32 v7  }
0x62: {  	v9 =	vshll.u32 v9, $0x7;
	v8 =	vshll.u32 v8, $0xD;
	v5 =	vcvt.f32.s32 v5  }
0x63: {  	v9 =	vadd.s32 v9, v10;
	v6 =	vshll.u32 v6, $0x13;
	v7 =	vshll.u32 v7, $0x7  }
0x64: {  	v8 =	vadd.s32 v9, v8;
	v5 =	vshll.u32 v5, $0xD;
	v6 =	vadd.s32 v7, v6  }
0x65: {  	v7 =	vor.u32 v1, v8;
	v5 =	vadd.s32 v6, v5  }
0x66: {  	[tilespmem:s26+$0x8000] =	vst v7;
	v5 =	vor.u32 v1, v5  }
0x67: {  	[tilespmem:s28+$0x8000] =	vst v5  }
0x68: {  	[hbm4b:s1+s18] =	stream.indirect.scatter [tilespmem:s21], [sflag:$0x1], $0x1, s22, s18, $0xb8;
	[tilespmem:$0x10000] =	vst v63  }
0x69: {  	s31 =	simm.s32 $0x0  }
0x6a: {  	[tilespmem:s31], [sflag:$0x2] =	stream.linear.gather [hbm4b:s10+s31], $0x2000, $0x38;
	[tilespmem:$0x10000] =	vst v63  }
0x6b: {  	_ =	swait.ge [sflag:s17], $0x2000  }
0x6c: {  	[sflag:s17] =	ssyncset.done $0x0  }
0x6d: {  	[sflag:s17] =	ssyncadd.s32 $0xFFFFE000  }
0x6e: {  	[tilespmem:s18], [sflag:$0x2] =	stream.linear.gather [hbm4b:s11+s31], $0x2000, $0x38;
	[tilespmem:$0x10000] =	vst v63  }
0x6f: {  	_ =	swait.ge [sflag:s17], $0x2000  }
0x70: {  	[sflag:s17] =	ssyncset.done $0x0  }
0x71: {  	[sflag:s17] =	ssyncadd.s32 $0xFFFFE000  }
0x72: {  	[tilespmem:s19], [sflag:$0x2] =	stream.linear.gather [hbm4b:s12+s31], $0x2000, $0x38;
	[tilespmem:$0x10000] =	vst v63  }
0x73: {  	_ =	swait.ge [sflag:s17], $0x2000  }
0x74: {  	[sflag:s17] =	ssyncset.done $0x0  }
0x75: {  	s26 =	simm.s32 $0x0;
	[sflag:s17] =	ssyncadd.s32 $0xFFFFE000  }
0x76: {  	v5 =	vld [tilespmem:s26+$0x4000]  }
0x77: {  	v7 =	vld [tilespmem:s26+$0x2000]  }
0x78: {  	v6 =	vld [tilespmem:s26+$0x0];
	_ =	sdelay $0x2  }
0x79: {  	s28 =	simm.s32 $0x10  }
0x7a: {  	v8 =	vmul.f32 $6.400000000e+01, v5;
	v7 =	vmul.f32 $6.400000000e+01, v7;
	v5 =	vld [tilespmem:s28+$0x4000]  }
0x7b: {  	v9 =	vmul.f32 $6.400000000e+01, v6;
	v6 =	vld [tilespmem:s28+$0x0]  }
0x7c: {  	v11 =	vtrunc.f32 v7;
	v7 =	vld [tilespmem:s28+$0x2000]  }
0x7d: {  	v8 =	vtrunc.f32 v8;
	v9 =	vtrunc.f32 v9  }
0x7e: {  	s29 =	simm.s32 $0x80;
	v10 =	vcvt.f32.s32 v9;
	v9 =	vcvt.f32.s32 v11  }
.LBB2_8:
0x7f: {  	s30 =	sshra.s32 s29, $0x2;
	v11 =	vmul.f32 $6.400000000e+01, v5;
	v8 =	vcvt.f32.s32 v8;
	p0 =	sne.s32 s29, $0x7FC0  }
.Ltmp3:
0x80: {  	v5 =	vld [tilespmem:s30+$0x4000];
	v12 =	vmul.f32 $6.400000000e+01, v6;
	v10 =	vshll.u32 v10, $0x13;
	v9 =	vshll.u32 v9, $0x7;
	(pc) =	sbr.rel @p0 .LBB2_8-.Ltmp3, $4  }
0x81: {  	s29 =	sadd.s32 $0x40, s29;
	v6 =	vld [tilespmem:s30+$0x0];
	v13 =	vmul.f32 $6.400000000e+01, v7;
	v14 =	vshll.u32 v8, $0xD;
	v9 =	vadd.s32 v9, v10  }
0x82: {  	v8 =	vtrunc.f32 v11;
	v7 =	vld [tilespmem:s30+$0x2000];
	v9 =	vadd.s32 v9, v14  }
0x83: {  	v10 =	vtrunc.f32 v12;
	v11 =	vtrunc.f32 v13;
	v12 =	vor.u32 v2, v9  }
0x84: {  	v10 =	vcvt.f32.s32 v10;
	v9 =	vcvt.f32.s32 v11;
	[tilespmem:s26+$0xA000] =	vst v12;
	s26 =	smov.u32 s28;
	s28 =	smov.u32 s30  }
0x85: {  	_ = 	snop  }
0x86: {  	v5 =	vmul.f32 $6.400000000e+01, v5  }
0x87: {  	v6 =	vmul.f32 $6.400000000e+01, v6;
	v7 =	vmul.f32 $6.400000000e+01, v7  }
0x88: {  	v8 =	vcvt.f32.s32 v8;
	v5 =	vtrunc.f32 v5  }
0x89: {  	v6 =	vtrunc.f32 v6;
	v7 =	vtrunc.f32 v7  }
0x8a: {  	v10 =	vshll.u32 v10, $0x13;
	v6 =	vcvt.f32.s32 v6;
	v7 =	vcvt.f32.s32 v7  }
0x8b: {  	v9 =	vshll.u32 v9, $0x7;
	v8 =	vshll.u32 v8, $0xD;
	v5 =	vcvt.f32.s32 v5  }
0x8c: {  	v9 =	vadd.s32 v9, v10;
	v6 =	vshll.u32 v6, $0x13;
	v7 =	vshll.u32 v7, $0x7  }
0x8d: {  	v8 =	vadd.s32 v9, v8;
	v5 =	vshll.u32 v5, $0xD;
	v6 =	vadd.s32 v7, v6  }
0x8e: {  	v7 =	vor.u32 v2, v8;
	v5 =	vadd.s32 v6, v5  }
0x8f: {  	[tilespmem:s26+$0xA000] =	vst v7;
	v5 =	vor.u32 v2, v5  }
0x90: {  	[tilespmem:s28+$0xA000] =	vst v5  }
0x91: {  	[hbm4b:s1+s18] =	stream.indirect.scatter [tilespmem:s21], [sflag:$0x1], $0x1, s23, s18, $0xb8;
	[tilespmem:$0x10000] =	vst v63  }
0x92: {  	s31 =	simm.s32 $0x0  }
0x93: {  	[tilespmem:s31], [sflag:$0x2] =	stream.linear.gather [hbm4b:s13+s31], $0x2000, $0x38;
	[tilespmem:$0x10000] =	vst v63  }
0x94: {  	_ =	swait.ge [sflag:s17], $0x2000  }
0x95: {  	[sflag:s17] =	ssyncset.done $0x0  }
0x96: {  	[sflag:s17] =	ssyncadd.s32 $0xFFFFE000  }
0x97: {  	[tilespmem:s18], [sflag:$0x2] =	stream.linear.gather [hbm4b:s14+s31], $0x2000, $0x38;
	[tilespmem:$0x10000] =	vst v63  }
0x98: {  	_ =	swait.ge [sflag:s17], $0x2000  }
0x99: {  	[sflag:s17] =	ssyncset.done $0x0  }
0x9a: {  	[sflag:s17] =	ssyncadd.s32 $0xFFFFE000  }
0x9b: {  	[tilespmem:s19], [sflag:$0x2] =	stream.linear.gather [hbm4b:s15+s31], $0x2000, $0x38;
	[tilespmem:$0x10000] =	vst v63  }
0x9c: {  	_ =	swait.ge [sflag:s17], $0x2000  }
0x9d: {  	[sflag:s17] =	ssyncset.done $0x0  }
0x9e: {  	s26 =	simm.s32 $0x0;
	[sflag:s17] =	ssyncadd.s32 $0xFFFFE000  }
0x9f: {  	v5 =	vld [tilespmem:s26+$0x4000]  }
0xa0: {  	v7 =	vld [tilespmem:s26+$0x2000]  }
0xa1: {  	v6 =	vld [tilespmem:s26+$0x0];
	_ =	sdelay $0x2  }
0xa2: {  	s28 =	simm.s32 $0x10  }
0xa3: {  	v8 =	vmul.f32 $6.400000000e+01, v5;
	v7 =	vmul.f32 $6.400000000e+01, v7;
	v5 =	vld [tilespmem:s28+$0x4000]  }
0xa4: {  	v9 =	vmul.f32 $6.400000000e+01, v6;
	v6 =	vld [tilespmem:s28+$0x0]  }
0xa5: {  	v11 =	vtrunc.f32 v7;
	v7 =	vld [tilespmem:s28+$0x2000]  }
0xa6: {  	v8 =	vtrunc.f32 v8;
	v9 =	vtrunc.f32 v9  }
0xa7: {  	s29 =	simm.s32 $0x80;
	v10 =	vcvt.f32.s32 v9;
	v9 =	vcvt.f32.s32 v11  }
.LBB2_10:
0xa8: {  	s30 =	sshra.s32 s29, $0x2;
	v11 =	vmul.f32 $6.400000000e+01, v5;
	v8 =	vcvt.f32.s32 v8;
	p0 =	sne.s32 s29, $0x7FC0  }
.Ltmp4:
0xa9: {  	v5 =	vld [tilespmem:s30+$0x4000];
	v12 =	vmul.f32 $6.400000000e+01, v6;
	v10 =	vshll.u32 v10, $0x13;
	v9 =	vshll.u32 v9, $0x7;
	(pc) =	sbr.rel @p0 .LBB2_10-.Ltmp4, $4  }
0xaa: {  	s29 =	sadd.s32 $0x40, s29;
	v6 =	vld [tilespmem:s30+$0x0];
	v13 =	vmul.f32 $6.400000000e+01, v7;
	v14 =	vshll.u32 v8, $0xD;
	v9 =	vadd.s32 v9, v10  }
0xab: {  	v8 =	vtrunc.f32 v11;
	v7 =	vld [tilespmem:s30+$0x2000];
	v9 =	vadd.s32 v9, v14  }
0xac: {  	v10 =	vtrunc.f32 v12;
	v11 =	vtrunc.f32 v13;
	v12 =	vor.u32 v3, v9  }
0xad: {  	v10 =	vcvt.f32.s32 v10;
	v9 =	vcvt.f32.s32 v11;
	[tilespmem:s26+$0xC000] =	vst v12;
	s26 =	smov.u32 s28;
	s28 =	smov.u32 s30  }
0xae: {  	_ = 	snop  }
0xaf: {  	v5 =	vmul.f32 $6.400000000e+01, v5  }
0xb0: {  	v6 =	vmul.f32 $6.400000000e+01, v6;
	v7 =	vmul.f32 $6.400000000e+01, v7  }
0xb1: {  	v8 =	vcvt.f32.s32 v8;
	v5 =	vtrunc.f32 v5  }
0xb2: {  	v6 =	vtrunc.f32 v6;
	v7 =	vtrunc.f32 v7  }
0xb3: {  	v10 =	vshll.u32 v10, $0x13;
	v6 =	vcvt.f32.s32 v6;
	v7 =	vcvt.f32.s32 v7  }
0xb4: {  	v9 =	vshll.u32 v9, $0x7;
	v8 =	vshll.u32 v8, $0xD;
	v5 =	vcvt.f32.s32 v5  }
0xb5: {  	v9 =	vadd.s32 v9, v10;
	v6 =	vshll.u32 v6, $0x13;
	v7 =	vshll.u32 v7, $0x7  }
0xb6: {  	v8 =	vadd.s32 v9, v8;
	v5 =	vshll.u32 v5, $0xD;
	v6 =	vadd.s32 v7, v6  }
0xb7: {  	v7 =	vor.u32 v3, v8;
	v5 =	vadd.s32 v6, v5  }
0xb8: {  	[tilespmem:s26+$0xC000] =	vst v7;
	v5 =	vor.u32 v3, v5  }
0xb9: {  	[tilespmem:s28+$0xC000] =	vst v5  }
0xba: {  	[hbm4b:s1+s18] =	stream.indirect.scatter [tilespmem:s21], [sflag:$0x1], $0x1, s24, s18, $0xb8;
	[tilespmem:$0x10000] =	vst v63  }
0xbb: {  	_ =	swait.ge [sflag:s25], $0x2000  }
0xbc: {  	[sflag:s25] =	ssyncset.done $0x0  }
0xbd: {  	[sflag:s25] =	ssyncadd.s32 $0xFFFFE000  }
0xbe: {  	_ =	swait.ge [sflag:s25], $0x2000  }
0xbf: {  	[sflag:s25] =	ssyncset.done $0x0  }
0xc0: {  	s3 =	sadd.s32 $0x1, s3;
	[sflag:s25] =	ssyncadd.s32 $0xFFFFE000  }
0xc1: {  	p0 =	sne.s32 s3, s16;
	_ =	swait.ge [sflag:s25], $0x2000  }
.Ltmp5:
0xc2: {  	[sflag:s25] =	ssyncset.done $0x0;
	(pc) =	sbr.rel @p0 .LBB2_1-.Ltmp5, $4  }
0xc3: {  	[sflag:s25] =	ssyncadd.s32 $0xFFFFE000  }
0xc4: {  	_ =	swait.ge [sflag:s25], $0x2000  }
0xc5: {  	[sflag:s25] =	ssyncset.done $0x0  }
0xc6: {  	[sflag:s25] =	ssyncadd.s32 $0xFFFFE000  }
0xc7: {  	_ =	sfence.sel $0x180000  }
0xc8: {  	[bflag:$0x0] =	sbarrier.arrive $0xFFFF  }
0xc9: {  	p0 =	sne.s32 s2, $0x0;
	_ =	strace $0x90000047  }
0xca: {  	s0 =	sadd.s32 @!p0 $0x100000, s0;
	[bflag:$0x2] =	sbarrier.arrive $0xFFFF  }
0xcb: {  	[sflag:s0] =	ssyncadd.tile.s32 @!p0 $0x1;
	_ =	shalt  }
.Lfunc_end2:
_tile_overlayer_lowered:
.L_overlay_start_2:
0xcc: {  	(tag) =	ssettag $0x2  }
0xcd: {  	s0 =	rddreg [dreg:$0x0];
	s2 =	stileid.u32  }
0xce: {  	s1 =	rddreg [dreg:$0x1];
	p0 =	sne.s32 s2, $0x0  }
0xcf: {  	s3 =	rddreg [dreg:$0x2];
	[bflag:$0x3] =	sbarrier.arrive $0xFFFF;
	s2 =	simm.s32 @!p0 $0x1C02  }
0xd0: {  	[timem:s3], [sflag:s2] =	dma.local @!p0 [hbm:s0], s1  }
0xd1: {  	s0 =	simm.s32 @!p0 $0x2  }
0xd2: {  	_ =	swait.ge @!p0 [sflag:s0], s1  }
0xd3: {  	s1 =	ssub.s32 @!p0 $0x0, s1;
	[sflag:s0] =	ssyncset.done @!p0 $0x0  }
0xd4: {  	[sflag:s0] =	ssyncadd.s32 @!p0 s1  }
0xd5: {  	[bflag:$0x3] =	sbarrier.arrive $0xFFFF  }
0xd6: {  	_ =	shalt  }

</sc_bundles>
